<compile_context>
chip_gen: v7x
topology: tpu7x:2x2x1
jax: 0.10.2.dev20260603
libtpu: 0.0.44.dev20260713+nightly
codegen_flags: <defaults>
</compile_context>

<pallas_src>
import functools

import jax
import jax.numpy as jnp
from jax import lax
from jax.experimental import pallas as pl
from jax.experimental.pallas import tpu as pltpu
from jax.experimental.pallas import tpu_sc as plsc

NW = 32
C = 128
K = 2


def _lookup_call(tot, v, d, nch, ng, per_w):
    mesh = plsc.VectorSubcoreMesh(core_axis_name="c", subcore_axis_name="s")

    @functools.partial(
        pl.kernel,
        out_type=jax.ShapeDtypeStruct((tot, d), jnp.float32),
        mesh=mesh,
        scratch_types=[
            pltpu.VMEM_SHARED((v, d), jnp.float32),
            pltpu.VMEM((nch, C), jnp.int32),
            pltpu.VMEM((C, d), jnp.float32),
            pltpu.VMEM((C, d), jnp.float32),
            pltpu.VMEM((C, d), jnp.float32),
            pltpu.VMEM((C, d), jnp.float32),
            pltpu.SemaphoreType.DMA,
            pltpu.SemaphoreType.DMA,
            pltpu.SemaphoreType.DMA,
            pltpu.SemaphoreType.DMA,
        ],
    )
    def k(idx_hbm, table_hbm, out_hbm, table_sp, idx_all, b00, b01, b10, b11,
          gs0, gs1, ws0, ws1):
        bufs = ((b00, b01), (b10, b11))
        gsem = (gs0, gs1)
        wsem = (ws0, ws1)
        sid = lax.axis_index("s")
        wid = sid * 2 + lax.axis_index("c")
        base = wid * per_w

        @pl.when(sid == 0)
        def _():
            pltpu.sync_copy(table_hbm, table_sp)

        pltpu.sync_copy(idx_hbm.at[wid], idx_all)
        plsc.subcore_barrier()

        def gather(gr, h):
            return [pltpu.make_async_copy(
                table_sp.at[idx_all.at[gr * K + b]], bufs[h][b], gsem[h])
                for b in range(K)]

        def write(gr, h):
            return [pltpu.make_async_copy(
                bufs[h][b], out_hbm.at[pl.ds(base + (gr * K + b) * C, C)],
                wsem[h]) for b in range(K)]

        for cp in gather(0, 0):
            cp.start()

        @pl.loop(0, ng, step=2)
        def _(g):
            for h in range(2):
                gr = g + h
                for cp in gather(gr, h):
                    cp.wait()
                for cp in write(gr, h):
                    cp.start()

                @pl.when(gr >= 1)
                def _():
                    for cp in write(gr - 1, 1 - h):
                        cp.wait()

                @pl.when(gr + 1 < ng)
                def _():
                    for cp in gather(gr + 1, 1 - h):
                        cp.start()

        for cp in write(ng - 1, 1):
            cp.wait()

    return k


def kernel(indices, weight):
    b, hist = indices.shape
    v, d = weight.shape
    tot = b * hist
    per_w = tot // NW
    nch = per_w // C
    ng = nch // K
    idx3 = indices.reshape(NW, nch, C)
    out = _lookup_call(tot, v, d, nch, ng, per_w)(idx3, weight)
    return out.reshape(b, hist, d)

# --- scband reference (transcript-rebuilt; emitter-appended) ---
"""Pipeline reference for scband-shared-attribute-vocab-27917287424622 (READ-ONLY COPY).

The authoritative reference and input builder live on the scoring server;
editing this copy changes nothing except your own understanding.
"""

import jax, jax.numpy as jnp
import numpy as np

VOCAB = 258  # 256 initial names + <UNK> + <EOS>
DIM = 128
BATCH = 4096
HIST = 200

def setup_inputs(seed: int = 0) -> dict:
    key = jax.random.key(seed)
    k_idx, k_w = jax.random.split(key)
    indices = jax.random.randint(k_idx, (BATCH, HIST), 0, VOCAB, dtype=jnp.int32)
    # nn.Embedding default init: N(0, 1)
    weight = jax.random.normal(k_w, (VOCAB, DIM), dtype=jnp.float32)
    return {"indices": indices, "weight": weight}

def reference(indices, weight):
    # SharedAttributeVocab forward == embedding lookup into the shared table
    return jnp.take(weight, indices, axis=0)

if __name__ == "__main__":
    import jax
    _d = setup_inputs()
    print(jax.jit(kernel)(*tuple(_d.values())))

</pallas_src>

<mosaic_0001>
#map = affine_map<(d0, d1) -> (0, 0, 0)>
#map1 = affine_map<(d0, d1) -> (0, 0)>
module attributes {stable_mosaic.version = 14 : i64} {
  func.func @k(%arg0: i32, %arg1: i32, %arg2: memref<32x200x128xi32, #tpu.memory_space<hbm>>, %arg3: memref<258x128xf32, #tpu.memory_space<hbm>>, %arg4: memref<819200x128xf32, #tpu.memory_space<hbm>>, %arg5: memref<258x128xf32, #tpu.memory_space<vmem_shared>>, %arg6: memref<200x128xi32, #tpu.memory_space<vmem>>, %arg7: memref<128x128xf32, #tpu.memory_space<vmem>>, %arg8: memref<128x128xf32, #tpu.memory_space<vmem>>, %arg9: memref<128x128xf32, #tpu.memory_space<vmem>>, %arg10: memref<128x128xf32, #tpu.memory_space<vmem>>, %arg11: memref<!tpu.dma_semaphore, #tpu.memory_space<semaphore_mem>>, %arg12: memref<!tpu.dma_semaphore, #tpu.memory_space<semaphore_mem>>, %arg13: memref<!tpu.dma_semaphore, #tpu.memory_space<semaphore_mem>>, %arg14: memref<!tpu.dma_semaphore, #tpu.memory_space<semaphore_mem>>) attributes {dimension_semantics = [#tpu.dimension_semantics<core_parallel>, #tpu.dimension_semantics<subcore_parallel>], iteration_bounds = array<i64: 2, 16>, scalar_prefetch = 0 : i64, scratch_operands = 10 : i64, tpu.core_type = #tpu.core_type<sc_vector_subcore>, window_params = [{transform_indices = #map}, {transform_indices = #map1}, {transform_indices = #map1}]} {
    %mul3A = arith.constant 2 : i32
    %mul3A_0 = arith.muli %arg1, %mul3A : i32
    %add3A = arith.addi %mul3A_0, %arg0 : i32
    %mul3A_1 = arith.constant 25600 : i32
    %mul3A_2 = arith.muli %add3A, %mul3A_1 : i32
    %eq3A = arith.constant 0 : i32
    %eq3A_3 = arith.cmpi eq, %arg1, %eq3A : i32
    %convert_element_type3A = arith.extui %eq3A_3 : i1 to i32
    %cond3A = arith.constant 0 : i32
    %cond3A_4 = arith.cmpi ne, %convert_element_type3A, %cond3A : i32
    scf.if %cond3A_4 {
      "tpu.region"() ({
        %run_scoped3A = tpu.sem_alloc : memref<!tpu.dma_semaphore, #tpu.memory_space<semaphore_mem>>
        tpu.enqueue_dma source(%arg3 : memref<258x128xf32, #tpu.memory_space<hbm>>) target(%arg5 : memref<258x128xf32, #tpu.memory_space<vmem_shared>>) target_semaphore(%run_scoped3A : memref<!tpu.dma_semaphore, #tpu.memory_space<semaphore_mem>>)
        tpu.wait_dma2 semaphore(%run_scoped3A : memref<!tpu.dma_semaphore, #tpu.memory_space<semaphore_mem>>) src(%arg3 : memref<258x128xf32, #tpu.memory_space<hbm>>) dst(%arg5 : memref<258x128xf32, #tpu.memory_space<vmem_shared>>)
        tpu.yield
      }) : () -> ()
    } else {
    }
    "tpu.region"() ({
      %run_scoped3A = tpu.sem_alloc : memref<!tpu.dma_semaphore, #tpu.memory_space<semaphore_mem>>
      %dma_start3A_33 = arith.constant 0 : i32
      %dma_start3A_34 = arith.constant 0 : i32
      %dma_start3A_35 = tpu.memref_slice %arg2[%add3A, %dma_start3A_33, %dma_start3A_34] : memref<32x200x128xi32, #tpu.memory_space<hbm>> -> memref<1x200x128xi32, #tpu.memory_space<hbm>>
      %dma_start3A_36 = tpu.memref_squeeze %dma_start3A_35 : memref<1x200x128xi32, #tpu.memory_space<hbm>> -> memref<200x128xi32, #tpu.memory_space<hbm>>
      %dma_start3A_37 = arith.constant 0 : i32
      %dma_start3A_38 = arith.constant 0 : i32
      %dma_start3A_39 = tpu.memref_slice %arg2[%add3A, %dma_start3A_37, %dma_start3A_38] : memref<32x200x128xi32, #tpu.memory_space<hbm>> -> memref<1x200x128xi32, #tpu.memory_space<hbm>>
      %dma_start3A_40 = tpu.memref_squeeze %dma_start3A_39 : memref<1x200x128xi32, #tpu.memory_space<hbm>> -> memref<200x128xi32, #tpu.memory_space<hbm>>
      tpu.enqueue_dma source(%dma_start3A_40 : memref<200x128xi32, #tpu.memory_space<hbm>>) target(%arg6 : memref<200x128xi32, #tpu.memory_space<vmem>>) target_semaphore(%run_scoped3A : memref<!tpu.dma_semaphore, #tpu.memory_space<semaphore_mem>>)
      %dma_wait3A_41 = arith.constant 0 : i32
      %dma_wait3A_42 = arith.constant 0 : i32
      %dma_wait3A_43 = tpu.memref_slice %arg2[%add3A, %dma_wait3A_41, %dma_wait3A_42] : memref<32x200x128xi32, #tpu.memory_space<hbm>> -> memref<1x200x128xi32, #tpu.memory_space<hbm>>
      %dma_wait3A_44 = tpu.memref_squeeze %dma_wait3A_43 : memref<1x200x128xi32, #tpu.memory_space<hbm>> -> memref<200x128xi32, #tpu.memory_space<hbm>>
      %dma_wait3A_45 = arith.constant 0 : i32
      %dma_wait3A_46 = arith.constant 0 : i32
      %dma_wait3A_47 = tpu.memref_slice %arg2[%add3A, %dma_wait3A_45, %dma_wait3A_46] : memref<32x200x128xi32, #tpu.memory_space<hbm>> -> memref<1x200x128xi32, #tpu.memory_space<hbm>>
      %dma_wait3A_48 = tpu.memref_squeeze %dma_wait3A_47 : memref<1x200x128xi32, #tpu.memory_space<hbm>> -> memref<200x128xi32, #tpu.memory_space<hbm>>
      tpu.wait_dma2 semaphore(%run_scoped3A : memref<!tpu.dma_semaphore, #tpu.memory_space<semaphore_mem>>) src(%dma_wait3A_48 : memref<200x128xi32, #tpu.memory_space<hbm>>) dst(%arg6 : memref<200x128xi32, #tpu.memory_space<vmem>>)
      tpu.yield
    }) : () -> ()
    %barrier3A = arith.constant 0 : index
    tpu.barrier barrier_id(%barrier3A)
    %dma_start3A = arith.constant 0 : i32
    %dma_start3A_5 = arith.constant 0 : i32
    %dma_start3A_6 = tpu.memref_slice %arg6[%dma_start3A, %dma_start3A_5] : memref<200x128xi32, #tpu.memory_space<vmem>> -> memref<1x128xi32, #tpu.memory_space<vmem>>
    %dma_start3A_7 = tpu.memref_squeeze %dma_start3A_6 : memref<1x128xi32, #tpu.memory_space<vmem>> -> memref<128xi32, #tpu.memory_space<vmem>>
    %dma_start3A_8 = arith.constant 0 : i32
    %dma_start3A_9 = arith.constant 0 : i32
    %dma_start3A_10 = tpu.memref_slice %arg5[%dma_start3A_8, %dma_start3A_9] : memref<258x128xf32, #tpu.memory_space<vmem_shared>> -> memref<258x128xf32, #tpu.memory_space<vmem_shared>>
    tpu.enqueue_indirect_dma source(%dma_start3A_10 : memref<258x128xf32, #tpu.memory_space<vmem_shared>>) target(%arg7 : memref<128x128xf32, #tpu.memory_space<vmem>>) offsets(%dma_start3A_7 : memref<128xi32, #tpu.memory_space<vmem>>) semaphore(%arg11 : memref<!tpu.dma_semaphore, #tpu.memory_space<semaphore_mem>>)
    %dma_start3A_11 = arith.constant 1 : i32
    %dma_start3A_12 = arith.constant 0 : i32
    %dma_start3A_13 = tpu.memref_slice %arg6[%dma_start3A_11, %dma_start3A_12] : memref<200x128xi32, #tpu.memory_space<vmem>> -> memref<1x128xi32, #tpu.memory_space<vmem>>
    %dma_start3A_14 = tpu.memref_squeeze %dma_start3A_13 : memref<1x128xi32, #tpu.memory_space<vmem>> -> memref<128xi32, #tpu.memory_space<vmem>>
    %dma_start3A_15 = arith.constant 0 : i32
    %dma_start3A_16 = arith.constant 0 : i32
    %dma_start3A_17 = tpu.memref_slice %arg5[%dma_start3A_15, %dma_start3A_16] : memref<258x128xf32, #tpu.memory_space<vmem_shared>> -> memref<258x128xf32, #tpu.memory_space<vmem_shared>>
    tpu.enqueue_indirect_dma source(%dma_start3A_17 : memref<258x128xf32, #tpu.memory_space<vmem_shared>>) target(%arg8 : memref<128x128xf32, #tpu.memory_space<vmem>>) offsets(%dma_start3A_14 : memref<128xi32, #tpu.memory_space<vmem>>) semaphore(%arg11 : memref<!tpu.dma_semaphore, #tpu.memory_space<semaphore_mem>>)
    %scan3A = arith.constant 0 : i32
    %scan3A_18 = arith.constant 50 : i32
    %scan3A_19 = arith.addi %scan3A, %scan3A_18 : i32
    %scan3A_20 = arith.constant 1 : i32
    scf.for %scan3A_33 = %scan3A to %scan3A_19 step %scan3A_20  : i32 {
      %mul3A_34 = arith.constant 2 : i32
      %mul3A_35 = arith.muli %scan3A_33, %mul3A_34 : i32
      %add3A_36 = arith.constant 0 : i32
      %add3A_37 = arith.addi %add3A_36, %mul3A_35 : i32
      %add3A_38 = arith.constant 0 : i32
      %add3A_39 = arith.addi %add3A_37, %add3A_38 : i32
      %mul3A_40 = arith.constant 2 : i32
      %mul3A_41 = arith.muli %add3A_39, %mul3A_40 : i32
      %add3A_42 = arith.constant 0 : i32
      %add3A_43 = arith.addi %mul3A_41, %add3A_42 : i32
      %mul3A_44 = arith.constant 2 : i32
      %mul3A_45 = arith.muli %add3A_39, %mul3A_44 : i32
      %add3A_46 = arith.constant 1 : i32
      %add3A_47 = arith.addi %mul3A_45, %add3A_46 : i32
      %dma_wait3A_48 = arith.constant 0 : i32
      %dma_wait3A_49 = tpu.memref_slice %arg6[%add3A_43, %dma_wait3A_48] : memref<200x128xi32, #tpu.memory_space<vmem>> -> memref<1x128xi32, #tpu.memory_space<vmem>>
      %dma_wait3A_50 = tpu.memref_squeeze %dma_wait3A_49 : memref<1x128xi32, #tpu.memory_space<vmem>> -> memref<128xi32, #tpu.memory_space<vmem>>
      %dma_wait3A_51 = arith.constant 0 : i32
      %dma_wait3A_52 = arith.constant 0 : i32
      %dma_wait3A_53 = tpu.memref_slice %arg5[%dma_wait3A_51, %dma_wait3A_52] : memref<258x128xf32, #tpu.memory_space<vmem_shared>> -> memref<258x128xf32, #tpu.memory_space<vmem_shared>>
      tpu.wait_indirect_dma semaphore(%arg11 : memref<!tpu.dma_semaphore, #tpu.memory_space<semaphore_mem>>) src(%dma_wait3A_53 : memref<258x128xf32, #tpu.memory_space<vmem_shared>>) dst(%arg7 : memref<128x128xf32, #tpu.memory_space<vmem>>)
      %dma_wait3A_54 = arith.constant 0 : i32
      %dma_wait3A_55 = tpu.memref_slice %arg6[%add3A_47, %dma_wait3A_54] : memref<200x128xi32, #tpu.memory_space<vmem>> -> memref<1x128xi32, #tpu.memory_space<vmem>>
      %dma_wait3A_56 = tpu.memref_squeeze %dma_wait3A_55 : memref<1x128xi32, #tpu.memory_space<vmem>> -> memref<128xi32, #tpu.memory_space<vmem>>
      %dma_wait3A_57 = arith.constant 0 : i32
      %dma_wait3A_58 = arith.constant 0 : i32
      %dma_wait3A_59 = tpu.memref_slice %arg5[%dma_wait3A_57, %dma_wait3A_58] : memref<258x128xf32, #tpu.memory_space<vmem_shared>> -> memref<258x128xf32, #tpu.memory_space<vmem_shared>>
      tpu.wait_indirect_dma semaphore(%arg11 : memref<!tpu.dma_semaphore, #tpu.memory_space<semaphore_mem>>) src(%dma_wait3A_59 : memref<258x128xf32, #tpu.memory_space<vmem_shared>>) dst(%arg8 : memref<128x128xf32, #tpu.memory_space<vmem>>)
      %mul3A_60 = arith.constant 2 : i32
      %mul3A_61 = arith.muli %add3A_39, %mul3A_60 : i32
      %add3A_62 = arith.constant 0 : i32
      %add3A_63 = arith.addi %mul3A_61, %add3A_62 : i32
      %mul3A_64 = arith.constant 128 : i32
      %mul3A_65 = arith.muli %add3A_63, %mul3A_64 : i32
      %add3A_66 = arith.addi %mul3A_2, %mul3A_65 : i32
      %mul3A_67 = arith.constant 2 : i32
      %mul3A_68 = arith.muli %add3A_39, %mul3A_67 : i32
      %add3A_69 = arith.constant 1 : i32
      %add3A_70 = arith.addi %mul3A_68, %add3A_69 : i32
      %mul3A_71 = arith.constant 128 : i32
      %mul3A_72 = arith.muli %add3A_70, %mul3A_71 : i32
      %add3A_73 = arith.addi %mul3A_2, %mul3A_72 : i32
      %dma_start3A_74 = arith.constant 0 : i32
      %dma_start3A_75 = tpu.memref_slice %arg4[%add3A_66, %dma_start3A_74] : memref<819200x128xf32, #tpu.memory_space<hbm>> -> memref<128x128xf32, #tpu.memory_space<hbm>>
      %dma_start3A_76 = arith.constant 0 : i32
      %dma_start3A_77 = tpu.memref_slice %arg4[%add3A_66, %dma_start3A_76] : memref<819200x128xf32, #tpu.memory_space<hbm>> -> memref<128x128xf32, #tpu.memory_space<hbm>>
      tpu.enqueue_dma source(%arg7 : memref<128x128xf32, #tpu.memory_space<vmem>>) target(%dma_start3A_77 : memref<128x128xf32, #tpu.memory_space<hbm>>) target_semaphore(%arg13 : memref<!tpu.dma_semaphore, #tpu.memory_space<semaphore_mem>>)
      %dma_start3A_78 = arith.constant 0 : i32
      %dma_start3A_79 = tpu.memref_slice %arg4[%add3A_73, %dma_start3A_78] : memref<819200x128xf32, #tpu.memory_space<hbm>> -> memref<128x128xf32, #tpu.memory_space<hbm>>
      %dma_start3A_80 = arith.constant 0 : i32
      %dma_start3A_81 = tpu.memref_slice %arg4[%add3A_73, %dma_start3A_80] : memref<819200x128xf32, #tpu.memory_space<hbm>> -> memref<128x128xf32, #tpu.memory_space<hbm>>
      tpu.enqueue_dma source(%arg8 : memref<128x128xf32, #tpu.memory_space<vmem>>) target(%dma_start3A_81 : memref<128x128xf32, #tpu.memory_space<hbm>>) target_semaphore(%arg13 : memref<!tpu.dma_semaphore, #tpu.memory_space<semaphore_mem>>)
      %ge3A = arith.constant 1 : i32
      %ge3A_82 = arith.cmpi sge, %add3A_39, %ge3A : i32
      %convert_element_type3A_83 = arith.extui %ge3A_82 : i1 to i32
      %cond3A_84 = arith.constant 0 : i32
      %cond3A_85 = arith.cmpi ne, %convert_element_type3A_83, %cond3A_84 : i32
      scf.if %cond3A_85 {
        %sub3A = arith.constant 1 : i32
        %sub3A_148 = arith.subi %add3A_39, %sub3A : i32
        %mul3A_149 = arith.constant 2 : i32
        %mul3A_150 = arith.muli %sub3A_148, %mul3A_149 : i32
        %add3A_151 = arith.constant 0 : i32
        %add3A_152 = arith.addi %mul3A_150, %add3A_151 : i32
        %mul3A_153 = arith.constant 128 : i32
        %mul3A_154 = arith.muli %add3A_152, %mul3A_153 : i32
        %add3A_155 = arith.addi %mul3A_2, %mul3A_154 : i32
        %mul3A_156 = arith.constant 2 : i32
        %mul3A_157 = arith.muli %sub3A_148, %mul3A_156 : i32
        %add3A_158 = arith.constant 1 : i32
        %add3A_159 = arith.addi %mul3A_157, %add3A_158 : i32
        %mul3A_160 = arith.constant 128 : i32
        %mul3A_161 = arith.muli %add3A_159, %mul3A_160 : i32
        %add3A_162 = arith.addi %mul3A_2, %mul3A_161 : i32
        %dma_wait3A_163 = arith.constant 0 : i32
        %dma_wait3A_164 = tpu.memref_slice %arg4[%add3A_155, %dma_wait3A_163] : memref<819200x128xf32, #tpu.memory_space<hbm>> -> memref<128x128xf32, #tpu.memory_space<hbm>>
        %dma_wait3A_165 = arith.constant 0 : i32
        %dma_wait3A_166 = tpu.memref_slice %arg4[%add3A_155, %dma_wait3A_165] : memref<819200x128xf32, #tpu.memory_space<hbm>> -> memref<128x128xf32, #tpu.memory_space<hbm>>
        tpu.wait_dma2 semaphore(%arg14 : memref<!tpu.dma_semaphore, #tpu.memory_space<semaphore_mem>>) src(%arg9 : memref<128x128xf32, #tpu.memory_space<vmem>>) dst(%dma_wait3A_166 : memref<128x128xf32, #tpu.memory_space<hbm>>)
        %dma_wait3A_167 = arith.constant 0 : i32
        %dma_wait3A_168 = tpu.memref_slice %arg4[%add3A_162, %dma_wait3A_167] : memref<819200x128xf32, #tpu.memory_space<hbm>> -> memref<128x128xf32, #tpu.memory_space<hbm>>
        %dma_wait3A_169 = arith.constant 0 : i32
        %dma_wait3A_170 = tpu.memref_slice %arg4[%add3A_162, %dma_wait3A_169] : memref<819200x128xf32, #tpu.memory_space<hbm>> -> memref<128x128xf32, #tpu.memory_space<hbm>>
        tpu.wait_dma2 semaphore(%arg14 : memref<!tpu.dma_semaphore, #tpu.memory_space<semaphore_mem>>) src(%arg10 : memref<128x128xf32, #tpu.memory_space<vmem>>) dst(%dma_wait3A_170 : memref<128x128xf32, #tpu.memory_space<hbm>>)
      } else {
      }
      %add3A_86 = arith.constant 1 : i32
      %add3A_87 = arith.addi %add3A_39, %add3A_86 : i32
      %lt3A = arith.constant 100 : i32
      %lt3A_88 = arith.cmpi slt, %add3A_87, %lt3A : i32
      %convert_element_type3A_89 = arith.extui %lt3A_88 : i1 to i32
      %cond3A_90 = arith.constant 0 : i32
      %cond3A_91 = arith.cmpi ne, %convert_element_type3A_89, %cond3A_90 : i32
      scf.if %cond3A_91 {
        %add3A_148 = arith.constant 1 : i32
        %add3A_149 = arith.addi %add3A_39, %add3A_148 : i32
        %mul3A_150 = arith.constant 2 : i32
        %mul3A_151 = arith.muli %add3A_149, %mul3A_150 : i32
        %add3A_152 = arith.constant 0 : i32
        %add3A_153 = arith.addi %mul3A_151, %add3A_152 : i32
        %mul3A_154 = arith.constant 2 : i32
        %mul3A_155 = arith.muli %add3A_149, %mul3A_154 : i32
        %add3A_156 = arith.constant 1 : i32
        %add3A_157 = arith.addi %mul3A_155, %add3A_156 : i32
        %dma_start3A_158 = arith.constant 0 : i32
        %dma_start3A_159 = tpu.memref_slice %arg6[%add3A_153, %dma_start3A_158] : memref<200x128xi32, #tpu.memory_space<vmem>> -> memref<1x128xi32, #tpu.memory_space<vmem>>
        %dma_start3A_160 = tpu.memref_squeeze %dma_start3A_159 : memref<1x128xi32, #tpu.memory_space<vmem>> -> memref<128xi32, #tpu.memory_space<vmem>>
        %dma_start3A_161 = arith.constant 0 : i32
        %dma_start3A_162 = arith.constant 0 : i32
        %dma_start3A_163 = tpu.memref_slice %arg5[%dma_start3A_161, %dma_start3A_162] : memref<258x128xf32, #tpu.memory_space<vmem_shared>> -> memref<258x128xf32, #tpu.memory_space<vmem_shared>>
        tpu.enqueue_indirect_dma source(%dma_start3A_163 : memref<258x128xf32, #tpu.memory_space<vmem_shared>>) target(%arg9 : memref<128x128xf32, #tpu.memory_space<vmem>>) offsets(%dma_start3A_160 : memref<128xi32, #tpu.memory_space<vmem>>) semaphore(%arg12 : memref<!tpu.dma_semaphore, #tpu.memory_space<semaphore_mem>>)
        %dma_start3A_164 = arith.constant 0 : i32
        %dma_start3A_165 = tpu.memref_slice %arg6[%add3A_157, %dma_start3A_164] : memref<200x128xi32, #tpu.memory_space<vmem>> -> memref<1x128xi32, #tpu.memory_space<vmem>>
        %dma_start3A_166 = tpu.memref_squeeze %dma_start3A_165 : memref<1x128xi32, #tpu.memory_space<vmem>> -> memref<128xi32, #tpu.memory_space<vmem>>
        %dma_start3A_167 = arith.constant 0 : i32
        %dma_start3A_168 = arith.constant 0 : i32
        %dma_start3A_169 = tpu.memref_slice %arg5[%dma_start3A_167, %dma_start3A_168] : memref<258x128xf32, #tpu.memory_space<vmem_shared>> -> memref<258x128xf32, #tpu.memory_space<vmem_shared>>
        tpu.enqueue_indirect_dma source(%dma_start3A_169 : memref<258x128xf32, #tpu.memory_space<vmem_shared>>) target(%arg10 : memref<128x128xf32, #tpu.memory_space<vmem>>) offsets(%dma_start3A_166 : memref<128xi32, #tpu.memory_space<vmem>>) semaphore(%arg12 : memref<!tpu.dma_semaphore, #tpu.memory_space<semaphore_mem>>)
      } else {
      }
      %add3A_92 = arith.constant 1 : i32
      %add3A_93 = arith.addi %add3A_37, %add3A_92 : i32
      %mul3A_94 = arith.constant 2 : i32
      %mul3A_95 = arith.muli %add3A_93, %mul3A_94 : i32
      %add3A_96 = arith.constant 0 : i32
      %add3A_97 = arith.addi %mul3A_95, %add3A_96 : i32
      %mul3A_98 = arith.constant 2 : i32
      %mul3A_99 = arith.muli %add3A_93, %mul3A_98 : i32
      %add3A_100 = arith.constant 1 : i32
      %add3A_101 = arith.addi %mul3A_99, %add3A_100 : i32
      %dma_wait3A_102 = arith.constant 0 : i32
      %dma_wait3A_103 = tpu.memref_slice %arg6[%add3A_97, %dma_wait3A_102] : memref<200x128xi32, #tpu.memory_space<vmem>> -> memref<1x128xi32, #tpu.memory_space<vmem>>
      %dma_wait3A_104 = tpu.memref_squeeze %dma_wait3A_103 : memref<1x128xi32, #tpu.memory_space<vmem>> -> memref<128xi32, #tpu.memory_space<vmem>>
      %dma_wait3A_105 = arith.constant 0 : i32
      %dma_wait3A_106 = arith.constant 0 : i32
      %dma_wait3A_107 = tpu.memref_slice %arg5[%dma_wait3A_105, %dma_wait3A_106] : memref<258x128xf32, #tpu.memory_space<vmem_shared>> -> memref<258x128xf32, #tpu.memory_space<vmem_shared>>
      tpu.wait_indirect_dma semaphore(%arg12 : memref<!tpu.dma_semaphore, #tpu.memory_space<semaphore_mem>>) src(%dma_wait3A_107 : memref<258x128xf32, #tpu.memory_space<vmem_shared>>) dst(%arg9 : memref<128x128xf32, #tpu.memory_space<vmem>>)
      %dma_wait3A_108 = arith.constant 0 : i32
      %dma_wait3A_109 = tpu.memref_slice %arg6[%add3A_101, %dma_wait3A_108] : memref<200x128xi32, #tpu.memory_space<vmem>> -> memref<1x128xi32, #tpu.memory_space<vmem>>
      %dma_wait3A_110 = tpu.memref_squeeze %dma_wait3A_109 : memref<1x128xi32, #tpu.memory_space<vmem>> -> memref<128xi32, #tpu.memory_space<vmem>>
      %dma_wait3A_111 = arith.constant 0 : i32
      %dma_wait3A_112 = arith.constant 0 : i32
      %dma_wait3A_113 = tpu.memref_slice %arg5[%dma_wait3A_111, %dma_wait3A_112] : memref<258x128xf32, #tpu.memory_space<vmem_shared>> -> memref<258x128xf32, #tpu.memory_space<vmem_shared>>
      tpu.wait_indirect_dma semaphore(%arg12 : memref<!tpu.dma_semaphore, #tpu.memory_space<semaphore_mem>>) src(%dma_wait3A_113 : memref<258x128xf32, #tpu.memory_space<vmem_shared>>) dst(%arg10 : memref<128x128xf32, #tpu.memory_space<vmem>>)
      %mul3A_114 = arith.constant 2 : i32
      %mul3A_115 = arith.muli %add3A_93, %mul3A_114 : i32
      %add3A_116 = arith.constant 0 : i32
      %add3A_117 = arith.addi %mul3A_115, %add3A_116 : i32
      %mul3A_118 = arith.constant 128 : i32
      %mul3A_119 = arith.muli %add3A_117, %mul3A_118 : i32
      %add3A_120 = arith.addi %mul3A_2, %mul3A_119 : i32
      %mul3A_121 = arith.constant 2 : i32
      %mul3A_122 = arith.muli %add3A_93, %mul3A_121 : i32
      %add3A_123 = arith.constant 1 : i32
      %add3A_124 = arith.addi %mul3A_122, %add3A_123 : i32
      %mul3A_125 = arith.constant 128 : i32
      %mul3A_126 = arith.muli %add3A_124, %mul3A_125 : i32
      %add3A_127 = arith.addi %mul3A_2, %mul3A_126 : i32
      %dma_start3A_128 = arith.constant 0 : i32
      %dma_start3A_129 = tpu.memref_slice %arg4[%add3A_120, %dma_start3A_128] : memref<819200x128xf32, #tpu.memory_space<hbm>> -> memref<128x128xf32, #tpu.memory_space<hbm>>
      %dma_start3A_130 = arith.constant 0 : i32
      %dma_start3A_131 = tpu.memref_slice %arg4[%add3A_120, %dma_start3A_130] : memref<819200x128xf32, #tpu.memory_space<hbm>> -> memref<128x128xf32, #tpu.memory_space<hbm>>
      tpu.enqueue_dma source(%arg9 : memref<128x128xf32, #tpu.memory_space<vmem>>) target(%dma_start3A_131 : memref<128x128xf32, #tpu.memory_space<hbm>>) target_semaphore(%arg14 : memref<!tpu.dma_semaphore, #tpu.memory_space<semaphore_mem>>)
      %dma_start3A_132 = arith.constant 0 : i32
      %dma_start3A_133 = tpu.memref_slice %arg4[%add3A_127, %dma_start3A_132] : memref<819200x128xf32, #tpu.memory_space<hbm>> -> memref<128x128xf32, #tpu.memory_space<hbm>>
      %dma_start3A_134 = arith.constant 0 : i32
      %dma_start3A_135 = tpu.memref_slice %arg4[%add3A_127, %dma_start3A_134] : memref<819200x128xf32, #tpu.memory_space<hbm>> -> memref<128x128xf32, #tpu.memory_space<hbm>>
      tpu.enqueue_dma source(%arg10 : memref<128x128xf32, #tpu.memory_space<vmem>>) target(%dma_start3A_135 : memref<128x128xf32, #tpu.memory_space<hbm>>) target_semaphore(%arg14 : memref<!tpu.dma_semaphore, #tpu.memory_space<semaphore_mem>>)
      %ge3A_136 = arith.constant 1 : i32
      %ge3A_137 = arith.cmpi sge, %add3A_93, %ge3A_136 : i32
      %convert_element_type3A_138 = arith.extui %ge3A_137 : i1 to i32
      %cond3A_139 = arith.constant 0 : i32
      %cond3A_140 = arith.cmpi ne, %convert_element_type3A_138, %cond3A_139 : i32
      scf.if %cond3A_140 {
        %sub3A = arith.constant 1 : i32
        %sub3A_148 = arith.subi %add3A_93, %sub3A : i32
        %mul3A_149 = arith.constant 2 : i32
        %mul3A_150 = arith.muli %sub3A_148, %mul3A_149 : i32
        %add3A_151 = arith.constant 0 : i32
        %add3A_152 = arith.addi %mul3A_150, %add3A_151 : i32
        %mul3A_153 = arith.constant 128 : i32
        %mul3A_154 = arith.muli %add3A_152, %mul3A_153 : i32
        %add3A_155 = arith.addi %mul3A_2, %mul3A_154 : i32
        %mul3A_156 = arith.constant 2 : i32
        %mul3A_157 = arith.muli %sub3A_148, %mul3A_156 : i32
        %add3A_158 = arith.constant 1 : i32
        %add3A_159 = arith.addi %mul3A_157, %add3A_158 : i32
        %mul3A_160 = arith.constant 128 : i32
        %mul3A_161 = arith.muli %add3A_159, %mul3A_160 : i32
        %add3A_162 = arith.addi %mul3A_2, %mul3A_161 : i32
        %dma_wait3A_163 = arith.constant 0 : i32
        %dma_wait3A_164 = tpu.memref_slice %arg4[%add3A_155, %dma_wait3A_163] : memref<819200x128xf32, #tpu.memory_space<hbm>> -> memref<128x128xf32, #tpu.memory_space<hbm>>
        %dma_wait3A_165 = arith.constant 0 : i32
        %dma_wait3A_166 = tpu.memref_slice %arg4[%add3A_155, %dma_wait3A_165] : memref<819200x128xf32, #tpu.memory_space<hbm>> -> memref<128x128xf32, #tpu.memory_space<hbm>>
        tpu.wait_dma2 semaphore(%arg13 : memref<!tpu.dma_semaphore, #tpu.memory_space<semaphore_mem>>) src(%arg7 : memref<128x128xf32, #tpu.memory_space<vmem>>) dst(%dma_wait3A_166 : memref<128x128xf32, #tpu.memory_space<hbm>>)
        %dma_wait3A_167 = arith.constant 0 : i32
        %dma_wait3A_168 = tpu.memref_slice %arg4[%add3A_162, %dma_wait3A_167] : memref<819200x128xf32, #tpu.memory_space<hbm>> -> memref<128x128xf32, #tpu.memory_space<hbm>>
        %dma_wait3A_169 = arith.constant 0 : i32
        %dma_wait3A_170 = tpu.memref_slice %arg4[%add3A_162, %dma_wait3A_169] : memref<819200x128xf32, #tpu.memory_space<hbm>> -> memref<128x128xf32, #tpu.memory_space<hbm>>
        tpu.wait_dma2 semaphore(%arg13 : memref<!tpu.dma_semaphore, #tpu.memory_space<semaphore_mem>>) src(%arg8 : memref<128x128xf32, #tpu.memory_space<vmem>>) dst(%dma_wait3A_170 : memref<128x128xf32, #tpu.memory_space<hbm>>)
      } else {
      }
      %add3A_141 = arith.constant 1 : i32
      %add3A_142 = arith.addi %add3A_93, %add3A_141 : i32
      %lt3A_143 = arith.constant 100 : i32
      %lt3A_144 = arith.cmpi slt, %add3A_142, %lt3A_143 : i32
      %convert_element_type3A_145 = arith.extui %lt3A_144 : i1 to i32
      %cond3A_146 = arith.constant 0 : i32
      %cond3A_147 = arith.cmpi ne, %convert_element_type3A_145, %cond3A_146 : i32
      scf.if %cond3A_147 {
        %add3A_148 = arith.constant 1 : i32
        %add3A_149 = arith.addi %add3A_93, %add3A_148 : i32
        %mul3A_150 = arith.constant 2 : i32
        %mul3A_151 = arith.muli %add3A_149, %mul3A_150 : i32
        %add3A_152 = arith.constant 0 : i32
        %add3A_153 = arith.addi %mul3A_151, %add3A_152 : i32
        %mul3A_154 = arith.constant 2 : i32
        %mul3A_155 = arith.muli %add3A_149, %mul3A_154 : i32
        %add3A_156 = arith.constant 1 : i32
        %add3A_157 = arith.addi %mul3A_155, %add3A_156 : i32
        %dma_start3A_158 = arith.constant 0 : i32
        %dma_start3A_159 = tpu.memref_slice %arg6[%add3A_153, %dma_start3A_158] : memref<200x128xi32, #tpu.memory_space<vmem>> -> memref<1x128xi32, #tpu.memory_space<vmem>>
        %dma_start3A_160 = tpu.memref_squeeze %dma_start3A_159 : memref<1x128xi32, #tpu.memory_space<vmem>> -> memref<128xi32, #tpu.memory_space<vmem>>
        %dma_start3A_161 = arith.constant 0 : i32
        %dma_start3A_162 = arith.constant 0 : i32
        %dma_start3A_163 = tpu.memref_slice %arg5[%dma_start3A_161, %dma_start3A_162] : memref<258x128xf32, #tpu.memory_space<vmem_shared>> -> memref<258x128xf32, #tpu.memory_space<vmem_shared>>
        tpu.enqueue_indirect_dma source(%dma_start3A_163 : memref<258x128xf32, #tpu.memory_space<vmem_shared>>) target(%arg7 : memref<128x128xf32, #tpu.memory_space<vmem>>) offsets(%dma_start3A_160 : memref<128xi32, #tpu.memory_space<vmem>>) semaphore(%arg11 : memref<!tpu.dma_semaphore, #tpu.memory_space<semaphore_mem>>)
        %dma_start3A_164 = arith.constant 0 : i32
        %dma_start3A_165 = tpu.memref_slice %arg6[%add3A_157, %dma_start3A_164] : memref<200x128xi32, #tpu.memory_space<vmem>> -> memref<1x128xi32, #tpu.memory_space<vmem>>
        %dma_start3A_166 = tpu.memref_squeeze %dma_start3A_165 : memref<1x128xi32, #tpu.memory_space<vmem>> -> memref<128xi32, #tpu.memory_space<vmem>>
        %dma_start3A_167 = arith.constant 0 : i32
        %dma_start3A_168 = arith.constant 0 : i32
        %dma_start3A_169 = tpu.memref_slice %arg5[%dma_start3A_167, %dma_start3A_168] : memref<258x128xf32, #tpu.memory_space<vmem_shared>> -> memref<258x128xf32, #tpu.memory_space<vmem_shared>>
        tpu.enqueue_indirect_dma source(%dma_start3A_169 : memref<258x128xf32, #tpu.memory_space<vmem_shared>>) target(%arg8 : memref<128x128xf32, #tpu.memory_space<vmem>>) offsets(%dma_start3A_166 : memref<128xi32, #tpu.memory_space<vmem>>) semaphore(%arg11 : memref<!tpu.dma_semaphore, #tpu.memory_space<semaphore_mem>>)
      } else {
      }
    }
    %scan3A_21 = arith.constant 50 : i32
    %add3A_22 = arith.constant 25344 : i32
    %add3A_23 = arith.addi %mul3A_2, %add3A_22 : i32
    %add3A_24 = arith.constant 25472 : i32
    %add3A_25 = arith.addi %mul3A_2, %add3A_24 : i32
    %dma_wait3A = arith.constant 0 : i32
    %dma_wait3A_26 = tpu.memref_slice %arg4[%add3A_23, %dma_wait3A] : memref<819200x128xf32, #tpu.memory_space<hbm>> -> memref<128x128xf32, #tpu.memory_space<hbm>>
    %dma_wait3A_27 = arith.constant 0 : i32
    %dma_wait3A_28 = tpu.memref_slice %arg4[%add3A_23, %dma_wait3A_27] : memref<819200x128xf32, #tpu.memory_space<hbm>> -> memref<128x128xf32, #tpu.memory_space<hbm>>
    tpu.wait_dma2 semaphore(%arg14 : memref<!tpu.dma_semaphore, #tpu.memory_space<semaphore_mem>>) src(%arg9 : memref<128x128xf32, #tpu.memory_space<vmem>>) dst(%dma_wait3A_28 : memref<128x128xf32, #tpu.memory_space<hbm>>)
    %dma_wait3A_29 = arith.constant 0 : i32
    %dma_wait3A_30 = tpu.memref_slice %arg4[%add3A_25, %dma_wait3A_29] : memref<819200x128xf32, #tpu.memory_space<hbm>> -> memref<128x128xf32, #tpu.memory_space<hbm>>
    %dma_wait3A_31 = arith.constant 0 : i32
    %dma_wait3A_32 = tpu.memref_slice %arg4[%add3A_25, %dma_wait3A_31] : memref<819200x128xf32, #tpu.memory_space<hbm>> -> memref<128x128xf32, #tpu.memory_space<hbm>>
    tpu.wait_dma2 semaphore(%arg14 : memref<!tpu.dma_semaphore, #tpu.memory_space<semaphore_mem>>) src(%arg10 : memref<128x128xf32, #tpu.memory_space<vmem>>) dst(%dma_wait3A_32 : memref<128x128xf32, #tpu.memory_space<hbm>>)
    return
  }
}

</mosaic_0001>

<sc_bundles>
// kernel: kernel.3.cloned.1.call-start
scs
__scs_entry_jumppad:
0x0: {  	(pc) =	sbr.rel $0x88, $3  }
0x1: {  	(tag) =	ssettag $0x0;
	lr =	simm.s32 $0x1  }
0x2: {  	[smem:$0x3F9F] =	sst lr;
	_ =	strace $0xD0000000  }
0x3: {  	_ = 	snop  }
0x4: {  	_ = 	snop  }
0x5: {  	_ = 	snop  }
0x6: {  	_ = 	snop  }
0x7: {  	_ = 	snop  }
__scs_overlays_trampoline_lowered:
0x8: {  	[smem:$0x3FAE] =	sst s0  }
0x9: {  	[smem:$0x3FAF] =	sst s1  }
0xa: {  	[smem:$0x3FB0] =	sst s2  }
0xb: {  	[smem:$0x3FB1] =	sst s3  }
0xc: {  	[smem:$0x3FB2] =	sst s4  }
0xd: {  	[smem:$0x3FB3] =	sst s5  }
0xe: {  	[smem:$0x3FB4] =	sst s6  }
0xf: {  	[smem:$0x3FB5] =	sst s7  }
0x10: {  	[smem:$0x3FB6] =	sst s8  }
0x11: {  	[smem:$0x3FB7] =	sst s9;
	s0 =	simm.s32 @!p0 $0x0  }
0x12: {  	s1 =	sld [smem:$0x3F9D];
	s0 =	simm.s32 @p0 $0x1  }
0x13: {  	[smem:$0x3FB8] =	sst s0;
	s0 =	simm.s32 @!p1 $0x0  }
0x14: {  	s2 =	sld [smem:$0x3F9C];
	s0 =	simm.s32 @p1 $0x1  }
0x15: {  	[smem:$0x3FB9] =	sst s0;
	s0 =	simm.s32 @!p2 $0x0  }
0x16: {  	s3 =	sld [smem:$0x3FDB];
	s0 =	simm.s32 @p2 $0x1  }
0x17: {  	s4 =	simm.s32 $0x1BF5;
	[smem:$0x3FBB] =	sst s0  }
0x18: {  	s0 =	sld [smem:$0x3F9E];
	_ =	swait.ge [sflag:s4], $0x0  }
0x19: {  	s7 =	sld [smem:$0x3F9F]  }
0x1a: {  	s8 =	sadd.s32 $0xFFFFE003, lr  }
0x1b: {  	s9 =	sadd.s32 $0xFFFFFEF7, lr;
	s5 =	simm.s32 $0xFFFFFFFF;
	p2 =	slt.u32 s8, $0xFFFFF086  }
0x1c: {  	p1 =	slt.u32 s9, $0xF7A;
	s5 =	simm.s32 @!p2 $0x0  }
0x1d: {  	s5 =	simm.s32 @p1 $0x1;
	p0 =	seq.s32 s7, s2  }
0x1e: {  	s7 =	smul.u32 @!p0 $0xF7A, s2;
	p2 =	seq.s32 @!p0 s5, $0x0  }
0x1f: {  	s9 =	smul.u32 $0xF7A, s1;
	s8 =	simm.s32 @!p0 $0x1BF5;
	p2 =	por !p2, p0  }
0x20: {  	[sflag:s8] =	ssyncset.s32 @!p0 $0xFFFFF086;
	s6 =	sadd.s32 @!p0 s3, s7;
	s7 =	simm.s32 @!p0 $0x108  }
0x21: {  	s3 =	sadd.s32 s3, s9;
	s6 =	sadd.s32 @!p0 $0x88, s6;
	s7 =	simm.s32 @p2 $0x1082  }
0x22: {  	[simem:s7], [sflag:s8] =	dma.local @!p0 [hbm:s6], $0xF7A  }
0x23: {  	s9 =	sor.u32 $0xD0000000, s2;
	s6 =	simm.s32 $0x108;
	_ =	swait.ge @!p0 [sflag:s8], $0x0  }
0x24: {  	s3 =	sadd.s32 $0x88, s3;
	s6 =	simm.s32 @!p1 $0x1082;
	[sflag:s4] =	ssyncset.s32 $0xFFFFF086  }
0x25: {  	[simem:s6], [sflag:s4] =	dma.local [hbm:s3], $0xF7A  }
0x26: {  	[smem:$0x3F9F] =	sst s1;
	(tag) =	ssettag s2;
	_ =	strace s9  }
0x27: {  	s1 =	sld [smem:$0x3FAF]  }
0x28: {  	s2 =	sld [smem:$0x3FB0]  }
0x29: {  	s4 =	sld [smem:$0x3FB2]  }
0x2a: {  	p0 =	seq.s32 s5, $0x0;
	s5 =	sld [smem:$0x3FB3]  }
0x2b: {  	s6 =	sld [smem:$0x3FB4]  }
0x2c: {  	s7 =	sld [smem:$0x3FB5]  }
0x2d: {  	s3 =	simm.s32 $0x108;
	s8 =	sld [smem:$0x3FB6]  }
0x2e: {  	s3 =	simm.s32 @!p0 $0x1082;
	s9 =	sld [smem:$0x3FB7]  }
0x2f: {  	lr =	sadd.s32 s0, s3;
	s0 =	sld [smem:$0x3FAE]  }
0x30: {  	s3 =	sld [smem:$0x3FB1]  }
0x31: {  	[smem:$0x3FBA] =	sst s10  }
0x32: {  	s10 =	sld [smem:$0x3FB8];
	_ =	sdelay $0x3  }
0x33: {  	p0 =	seq.s32 s10, $0x1;
	s10 =	sld [smem:$0x3FBA];
	_ =	sdelay $0x3  }
0x34: {  	[smem:$0x3FBA] =	sst s10  }
0x35: {  	s10 =	sld [smem:$0x3FB9];
	_ =	sdelay $0x3  }
0x36: {  	p1 =	seq.s32 s10, $0x1;
	s10 =	sld [smem:$0x3FBA];
	_ =	sdelay $0x3  }
0x37: {  	[smem:$0x3FBA] =	sst s10  }
0x38: {  	s10 =	sld [smem:$0x3FBB]  }
0x39: {  	_ = 	snop;
	(pc) =	sbr.ind lr, $3  }
0x3a: {  	_ = 	snop  }
0x3b: {  	_ = 	snop  }
0x3c: {  	p2 =	seq.s32 s10, $0x1;
	s10 =	sld [smem:$0x3FBA]  }
0x3d: {  	_ =	shalt  }
0x3e: {  	_ =	shalt  }
0x3f: {  	_ =	shalt  }
0x40: {  	_ =	shalt  }
0x41: {  	_ =	shalt  }
0x42: {  	_ =	shalt  }
0x43: {  	_ =	shalt  }
0x44: {  	_ =	shalt  }
0x45: {  	_ =	shalt  }
0x46: {  	_ =	shalt  }
0x47: {  	_ =	shalt  }
0x48: {  	_ =	shalt  }
0x49: {  	_ =	shalt  }
0x4a: {  	_ =	shalt  }
0x4b: {  	_ =	shalt  }
0x4c: {  	_ =	shalt  }
0x4d: {  	_ =	shalt  }
0x4e: {  	_ =	shalt  }
0x4f: {  	_ =	shalt  }
0x50: {  	_ =	shalt  }
0x51: {  	_ =	shalt  }
0x52: {  	_ =	shalt  }
0x53: {  	_ =	shalt  }
0x54: {  	_ =	shalt  }
0x55: {  	_ =	shalt  }
0x56: {  	_ =	shalt  }
0x57: {  	_ =	shalt  }
0x58: {  	_ =	shalt  }
0x59: {  	_ =	shalt  }
0x5a: {  	_ =	shalt  }
0x5b: {  	_ =	shalt  }
0x5c: {  	_ =	shalt  }
0x5d: {  	_ =	shalt  }
0x5e: {  	_ =	shalt  }
0x5f: {  	_ =	shalt  }
0x60: {  	_ =	shalt  }
0x61: {  	_ =	shalt  }
0x62: {  	_ =	shalt  }
0x63: {  	_ =	shalt  }
0x64: {  	_ =	shalt  }
0x65: {  	_ =	shalt  }
0x66: {  	_ =	shalt  }
0x67: {  	_ =	shalt  }
0x68: {  	_ =	shalt  }
0x69: {  	_ =	shalt  }
0x6a: {  	_ =	shalt  }
0x6b: {  	_ =	shalt  }
0x6c: {  	_ =	shalt  }
0x6d: {  	_ =	shalt  }
0x6e: {  	_ =	shalt  }
0x6f: {  	_ =	shalt  }
0x70: {  	_ =	shalt  }
0x71: {  	_ =	shalt  }
0x72: {  	_ =	shalt  }
0x73: {  	_ =	shalt  }
0x74: {  	_ =	shalt  }
0x75: {  	_ =	shalt  }
0x76: {  	_ =	shalt  }
0x77: {  	_ =	shalt  }
0x78: {  	_ =	shalt  }
0x79: {  	_ =	shalt  }
0x7a: {  	_ =	shalt  }
0x7b: {  	_ =	shalt  }
0x7c: {  	_ =	shalt  }
0x7d: {  	_ =	shalt  }
0x7e: {  	_ =	shalt  }
0x7f: {  	_ =	shalt  }
0x80: {  	_ =	shalt  }
0x81: {  	_ =	shalt  }
0x82: {  	_ =	shalt  }
0x83: {  	_ =	shalt  }
0x84: {  	_ =	shalt  }
0x85: {  	_ =	shalt  }
0x86: {  	_ =	shalt  }
0x87: {  	_ =	shalt  }
.Lfunc_end0:
.L_simem_size_0:
called_computation_lowered:
.L_overlay_start_0:
0x88: {  	s2 =	sld [smem:$0x3FD9]  }
0x89: {  	s3 =	sld [smem:$0x3FFE];
	_ =	sdelay $0x1  }
0x8a: {  	s1 =	srdreg.scid  }
0x8b: {  	s0 =	sand.u32 $0x1, s1  }
0x8c: {  	s17 =	sshll.u32 s0, $0xA;
	s2 =	sadd.s32 s3, s2  }
0x8d: {  	s2 =	sadd.s32 s2, s17  }
0x8e: {  	[smem:$0x3FC6] =	sst s2  }
0x8f: {  	_ = 	snop  }
0x90: {  	s2 =	sld [smem:$0x3FC8]  }
0x91: {  	s18 =	sld [smem:$0x3FD0];
	(tm) =	ssettm $0x1  }
0x92: {  	s4 =	sld [smem:$0x3FFB];
	_ =	sdelay $0x3  }
0x93: {  	_ =	strace s4  }
0x94: {  	s4 =	sld [smem:$0x3FFC];
	_ =	sdelay $0x3  }
0x95: {  	_ =	strace s4  }
0x96: {  	s4 =	sld [smem:$0x3FFD];
	_ =	sdelay $0x3  }
0x97: {  	_ =	strace s4  }
0x98: {  	_ =	strace $0x8FFFFFFF  }
0x99: {  	s19 =	sld [smem:$0x3FDB];
	_ =	sdelay $0x1  }
0x9a: {  	s5 =	simm.s32 $_scs_section_size  }
0x9b: {  	s6 =	simm.s32 $_size__tile_overlayer_lowered;
	s7 =	simm.s32 $_tile_overlayer_lowered  }
0x9c: {  	s22 =	simm.s32 $0x1BFF;
	s21 =	sshll.u32 s7, $0x1;
	s4 =	sadd.s32 s5, s19  }
0x9d: {  	s8 =	simm.s32 $0x0;
	s20 =	sshll.u32 s6, $0x1;
	s6 =	sadd.s32 s21, s4  }
0x9e: {  	[timem:s8], [sflag:s22] =	dma.local [hbm:s6], s20  }
0x9f: {  	_ =	swait.ge [sflag:s22], s20  }
0xa0: {  	s5 =	ssub.s32 $0x0, s20;
	[sflag:s22] =	ssyncset.done $0x0  }
0xa1: {  	[sflag:s22] =	ssyncadd.s32 s5;
	_ =	sdelay $0x1  }
0xa2: {  	s23 =	simm.s32 $0x1B8B  }
0xa3: {  	_ =	swait.ge [sflag:s23], $0x1  }
0xa4: {  	[sflag:s23] =	ssyncset.done $0x0  }
0xa5: {  	s25 =	simm.s32 $0x1B8E;
	s24 =	sld [smem:$0x3FFE];
	[sflag:s23] =	ssyncadd.s32 $0xFFFFFFFF  }
0xa6: {  	s26 =	simm.s32 $execute0_lowered;
	[smem:$0x3FD2] =	sst s25  }
0xa7: {  	s6 =	sshll.u32 s26, $0x1;
	_ =	strace $0x80000046;
	[dreg:$0x1] =	wrdreg $0xFFFFFFFF  }
0xa8: {  	s28 =	simm.s32 $_size_execute0_lowered;
	s4 =	sadd.s32 s4, s6;
	[dreg:$0x0] =	wrdreg $0x0  }
0xa9: {  	s6 =	sshll.u32 s28, $0x1;
	[dreg:$0x2] =	wrdreg s4  }
0xaa: {  	[dreg:$0x3] =	wrdreg s6  }
0xab: {  	[dreg:$0x4] =	wrdreg $0xC0  }
0xac: {  	_ =	task [dreg:s8], $0x5FFFF  }
0xad: {  	[dreg:$0x1] =	wrdreg $0xFFFFFFFF  }
0xae: {  	[dreg:$0x0] =	wrdreg $0x60  }
0xaf: {  	[dreg:$0x2] =	wrdreg s24  }
0xb0: {  	[dreg:$0x3] =	wrdreg s2  }
0xb1: {  	[dreg:$0x4] =	wrdreg s18  }
0xb2: {  	[dreg:$0x5] =	wrdreg $0x0  }
0xb3: {  	[dreg:$0x6] =	wrdreg $0x9  }
0xb4: {  	_ =	task.clear_ibuf [dreg:s8], $0x7FFFF;
	_ =	strace $0x90000046  }
0xb5: {  	s29 =	simm.s32 $0x9;
	_ =	strace $0x80000048  }
0xb6: {  	_ =	swait.ge [sflag:s29], $0x1  }
0xb7: {  	[sflag:s29] =	ssyncadd.s32 $0xFFFFFFFF  }
0xb8: {  	_ =	strace $0x90000048  }
0xb9: {  	_ =	sfence  }
0xba: {  	s30 =	sld [smem:$0x0];
	_ =	sdelay $0x2  }
0xbb: {  	s31 =	sshll.u32 s1, $0xD;
	s1 =	sshrl.u32 s1, $0x2  }
0xbc: {  	s3 =	sand.u32 $0x4000, s31;
	s1 =	sadd.s32 s1, s30  }
0xbd: {  	s0 =	sor.u32 s3, s0;
	s1 =	sshll.u32 s1, $0x11  }
0xbe: {  	s0 =	sor.u32 s1, s0  }
0xbf: {  	s0 =	sadd.s32 $0x8F2B, s0  }
0xc0: {  	[sflag:s0] =	ssyncadd.remote.s32 $0x1  }
0xc1: {  	_ =	sfence.sel $0xFFFF  }
0xc2: {  	[dreg:$0x0] =	wrdreg $0xFFFFFFFF;
	(pc) =	sbr.abs _section_cstart, $3  }
0xc3: {  	[dreg:$0x1] =	wrdreg $0xFFFFFFFF  }
0xc4: {  	_ =	task.clear_ibuf [dreg:s8], $0x2FFFF;
	_ =	strace $0x9FFFFFFF  }
0xc5: {  	(tm) =	ssettm $0x7FFFFFFF  }
tec
execute0_lowered:
.L_overlay_start_1:
0x0: {  	(tag) =	ssettag $0x1  }
0x1: {  	s0 =	rddreg [dreg:$0x0]  }
0x2: {  	s1 =	rddreg [dreg:$0x2];
	s3 =	srdreg.scid  }
0x3: {  	s10 =	stileid.u32;
	s2 =	rddreg [dreg:$0x3]  }
0x4: {  	s15 =	simm.s32 $0x5;
	s16 =	simm.s32 $0x80;
	s17 =	simm.s32 $0x6C10  }
0x5: {  	s19 =	simm.s32 $0xAC10;
	s20 =	simm.s32 $0x1;
	s22 =	simm.s32 $0xEC10  }
0x6: {  	s29 =	simm.s32 $0xA90;
	s30 =	simm.s32 $0x4;
	s24 =	smul.u32 $0xC8000, s10  }
0x7: {  	s31 =	simm.s32 $0x0;
	s9 =	sand.u32 $0x1, s3;
	s11 =	smul.u32 $0x640000, s10  }
0x8: {  	s4 =	sshll.u32 s10, $0x1;
	s3 =	simm.s32 $0x0;
	s13 =	smul.u32 $0x320000, s9  }
0x9: {  	p0 =	sne.s32 s10, $0x0;
	s4 =	sor.u32 s9, s4;
	s14 =	smul.u32 $0x64000, s9  }
0xa: {  	[smem:$0x7FF] =	sst s3;
	s6 =	ssub.s32 $0x2, s9;
	s5 =	smul.u32 $0xC80, s4  }
0xb: {  	_ =	strace $0x80000047;
	s7 =	smul.u32 $0x320000, s4;
	s23 =	sshrl.u32 s6, $0x1  }
0xc: {  	s8 =	smul.u32 $0x64000, s4;
	s11 =	sadd.s32 s13, s11;
	s13 =	sshrl.u32 @!p0 s2, $0x3  }
0xd: {  	s0 =	sadd.s32 s5, s0;
	s5 =	ssub.s32 s6, s23;
	s25 =	sshrl.u32 s7, $0x3  }
0xe: {  	s12 =	sadd.s32 s8, s1;
	s26 =	sor.u32 $0x10000, s11;
	s11 =	sor.u32 $0x18000, s11  }
0xf: {  	s4 =	sadd.s32 $0x400, s0;
	s5 =	smax.u32 s5, $0x1;
	s6 =	sadd.s32 s1, s25  }
.Ltmp0:
0x10: {  	s7 =	sadd.s32 $0x800, s12;
	s9 =	sadd.s32 $0x1800, s12;
	(pc) =	sbr.rel .LBB2_1-.Ltmp0, $4  }
0x11: {  	s0 =	sadd.s32 s24, s1;
	s28 =	sshrl.u32 s26, $0x3;
	s11 =	sshrl.u32 s11, $0x3  }
0x12: {  	s24 =	simm.s32 $0x12C10;
	s25 =	simm.s32 $0x2;
	s26 =	simm.s32 $0x3  }
0x13: {  	s8 =	sadd.s32 $0x1000, s6;
	s0 =	sadd.s32 s14, s0;
	s14 =	simm.s32 $0x810  }
0x14: {  	s18 =	sadd.s32 $0x2800, s0;
	s0 =	sadd.s32 s28, s1;
	s1 =	sadd.s32 s11, s1  }
.LBB2_4:
0x15: {  	s31 =	sadd.s32 $0x1, s31  }
0x16: {  	_ =	swait.ge [sflag:s30], $0x4000;
	p1 =	sne.s32 s31, s5  }
.Ltmp1:
0x17: {  	[sflag:s30] =	ssyncset.done $0x0;
	(pc) =	sbr.rel @!p1 .LBB2_5-.Ltmp1, $4  }
0x18: {  	[sflag:s30] =	ssyncadd.s32 $0xFFFFC000  }
0x19: {  	_ =	swait.ge [sflag:s30], $0x4000  }
0x1a: {  	[sflag:s30] =	ssyncset.done $0x0  }
0x1b: {  	[sflag:s30] =	ssyncadd.s32 $0xFFFFC000  }
.LBB2_1:
0x1c: {  	s10 =	simm.s32 @!p0 $0x1C05;
	s11 =	rddreg [dreg:$0x1]  }
0x1d: {  	[spmem:s13], [sflag:s10] =	dma.local @!p0 [hbm:s11], $0x1020  }
0x1e: {  	s10 =	simm.s32 @!p0 $0x5  }
0x1f: {  	_ =	swait.ge @!p0 [sflag:s10], $0x1020  }
0x20: {  	[sflag:s10] =	ssyncset.done @!p0 $0x0  }
0x21: {  	[sflag:s10] =	ssyncadd.s32 @!p0 $0xFFFFEFE0  }
0x22: {  	[tilespmem:s14], [sflag:$0x5] =	stream.linear.gather [hbm4b:s4+s3], $0x6400, $0x38;
	[tilespmem:$0x16C10] =	vst v63  }
0x23: {  	_ =	swait.ge [sflag:s15], $0x6400  }
0x24: {  	[sflag:s15] =	ssyncset.done $0x0  }
0x25: {  	[sflag:s15] =	ssyncadd.s32 $0xFFFF9C00  }
0x26: {  	[bflag:$0x0] =	sbarrier.arrive $0xFFFF  }
0x27: {  	[tilespmem:s17], [sflag:$0x1] =	stream.indirect.gather [spmem:s2], $0x80, s14, s16, $0xb8;
	[tilespmem:$0x16C10] =	vst v63  }
0x28: {  	s12 =	simm.s32 $0x890  }
0x29: {  	[tilespmem:s19], [sflag:$0x1] =	stream.indirect.gather [spmem:s2], $0x80, s12, s16, $0xb8;
	[tilespmem:$0x16C10] =	vst v63  }
0x2a: {  	_ =	swait.ge [sflag:s20], $0x4000  }
0x2b: {  	[sflag:s20] =	ssyncset.done $0x0  }
0x2c: {  	[sflag:s20] =	ssyncadd.s32 $0xFFFFC000  }
0x2d: {  	_ =	swait.ge [sflag:s20], $0x4000  }
0x2e: {  	[sflag:s20] =	ssyncset.done $0x0  }
0x2f: {  	[sflag:s20] =	ssyncadd.s32 $0xFFFFC000  }
0x30: {  	[hbm4b:s6+s3] =	stream.linear.scatter [tilespmem:s17], [sflag:$0x3], $0x4000, $0x38;
	[tilespmem:$0x16C10] =	vst v63  }
0x31: {  	_ = 	snop  }
0x32: {  	[hbm4b:s7+s3] =	stream.linear.scatter [tilespmem:s19], [sflag:$0x3], $0x4000, $0x38;
	[tilespmem:$0x16C10] =	vst v63  }
0x33: {  	s21 =	simm.s32 $0x910  }
0x34: {  	[tilespmem:s22], [sflag:$0x2] =	stream.indirect.gather [spmem:s2], $0x80, s21, s16, $0xb8;
	[tilespmem:$0x16C10] =	vst v63  }
0x35: {  	s23 =	simm.s32 $0x990  }
0x36: {  	[tilespmem:s24], [sflag:$0x2] =	stream.indirect.gather [spmem:s2], $0x80, s23, s16, $0xb8;
	[tilespmem:$0x16C10] =	vst v63  }
0x37: {  	_ =	swait.ge [sflag:s25], $0x4000  }
0x38: {  	[sflag:s25] =	ssyncset.done $0x0  }
0x39: {  	[sflag:s25] =	ssyncadd.s32 $0xFFFFC000  }
0x3a: {  	_ =	swait.ge [sflag:s25], $0x4000  }
0x3b: {  	[sflag:s25] =	ssyncset.done $0x0  }
0x3c: {  	[sflag:s25] =	ssyncadd.s32 $0xFFFFC000  }
0x3d: {  	[hbm4b:s8+s3] =	stream.linear.scatter [tilespmem:s22], [sflag:$0x4], $0x4000, $0x38;
	[tilespmem:$0x16C10] =	vst v63  }
0x3e: {  	_ = 	snop  }
0x3f: {  	[hbm4b:s9+s3] =	stream.linear.scatter [tilespmem:s24], [sflag:$0x4], $0x4000, $0x38;
	[tilespmem:$0x16C10] =	vst v63  }
0x40: {  	_ =	swait.ge [sflag:s26], $0x4000  }
0x41: {  	[sflag:s26] =	ssyncset.done $0x0  }
0x42: {  	[sflag:s26] =	ssyncadd.s32 $0xFFFFC000  }
0x43: {  	_ =	swait.ge [sflag:s26], $0x4000  }
0x44: {  	[sflag:s26] =	ssyncset.done $0x0  }
0x45: {  	s28 =	simm.s32 $0xA10;
	s11 =	smov.u32 s0;
	[sflag:s26] =	ssyncadd.s32 $0xFFFFC000  }
0x46: {  	[tilespmem:s17], [sflag:$0x1] =	stream.indirect.gather [spmem:s2], $0x80, s28, s16, $0xb8;
	[tilespmem:$0x16C10] =	vst v63  }
0x47: {  	s10 =	smov.u32 s18;
	s12 =	smov.u32 s1;
	s21 =	simm.s32 $0x0  }
0x48: {  	[tilespmem:s19], [sflag:$0x1] =	stream.indirect.gather [spmem:s2], $0x80, s29, s16, $0xb8;
	[tilespmem:$0x16C10] =	vst v63  }
.LBB2_2:
0x49: {  	_ =	swait.ge [sflag:s20], $0x4000  }
0x4a: {  	[sflag:s20] =	ssyncset.done $0x0  }
0x4b: {  	[sflag:s20] =	ssyncadd.s32 $0xFFFFC000  }
0x4c: {  	_ =	swait.ge [sflag:s20], $0x4000  }
0x4d: {  	[sflag:s20] =	ssyncset.done $0x0  }
0x4e: {  	[sflag:s20] =	ssyncadd.s32 $0xFFFFC000  }
0x4f: {  	[hbm4b:s11+s3] =	stream.linear.scatter [tilespmem:s17], [sflag:$0x3], $0x4000, $0x38;
	[tilespmem:$0x16C10] =	vst v63  }
0x50: {  	_ = 	snop  }
0x51: {  	[hbm4b:s10+s3] =	stream.linear.scatter [tilespmem:s19], [sflag:$0x3], $0x4000, $0x38;
	[tilespmem:$0x16C10] =	vst v63  }
0x52: {  	_ =	swait.ge [sflag:s30], $0x4000  }
0x53: {  	[sflag:s30] =	ssyncset.done $0x0  }
0x54: {  	[sflag:s30] =	ssyncadd.s32 $0xFFFFC000  }
0x55: {  	_ =	swait.ge [sflag:s30], $0x4000  }
0x56: {  	s23 =	sshra.s32 s21, $0x2;
	[sflag:s30] =	ssyncset.done $0x0  }
0x57: {  	s28 =	sadd.s32 $0xB10, s23;
	[sflag:s30] =	ssyncadd.s32 $0xFFFFC000  }
0x58: {  	[tilespmem:s22], [sflag:$0x2] =	stream.indirect.gather [spmem:s2], $0x80, s28, s16, $0xb8;
	[tilespmem:$0x16C10] =	vst v63  }
0x59: {  	s28 =	sadd.s32 $0xB90, s23  }
0x5a: {  	[tilespmem:s24], [sflag:$0x2] =	stream.indirect.gather [spmem:s2], $0x80, s28, s16, $0xb8;
	[tilespmem:$0x16C10] =	vst v63  }
0x5b: {  	_ =	swait.ge [sflag:s25], $0x4000  }
0x5c: {  	[sflag:s25] =	ssyncset.done $0x0  }
0x5d: {  	[sflag:s25] =	ssyncadd.s32 $0xFFFFC000  }
0x5e: {  	_ =	swait.ge [sflag:s25], $0x4000  }
0x5f: {  	[sflag:s25] =	ssyncset.done $0x0  }
0x60: {  	[sflag:s25] =	ssyncadd.s32 $0xFFFFC000  }
0x61: {  	[hbm4b:s12+s3] =	stream.linear.scatter [tilespmem:s22], [sflag:$0x4], $0x4000, $0x38;
	[tilespmem:$0x16C10] =	vst v63  }
0x62: {  	s28 =	sadd.s32 $0x1000, s10  }
0x63: {  	[hbm4b:s28+s3] =	stream.linear.scatter [tilespmem:s24], [sflag:$0x4], $0x4000, $0x38;
	[tilespmem:$0x16C10] =	vst v63  }
0x64: {  	p1 =	seq.s32 s21, $0x18000;
	_ =	swait.ge [sflag:s26], $0x4000  }
.Ltmp2:
0x65: {  	[sflag:s26] =	ssyncset.done $0x0;
	(pc) =	sbr.rel @p1 .LBB2_4-.Ltmp2, $4  }
0x66: {  	[sflag:s26] =	ssyncadd.s32 $0xFFFFC000  }
0x67: {  	_ =	swait.ge [sflag:s26], $0x4000  }
0x68: {  	[sflag:s26] =	ssyncset.done $0x0  }
0x69: {  	[sflag:s26] =	ssyncadd.s32 $0xFFFFC000  }
.Ltmp3:
0x6a: {  	(pc) =	sbr.rel .LBB2_2-.Ltmp3, $4  }
0x6b: {  	s28 =	sadd.s32 $0xC10, s23;
	s21 =	sadd.s32 $0x800, s21;
	s10 =	sadd.s32 $0x2000, s10  }
0x6c: {  	[tilespmem:s17], [sflag:$0x1] =	stream.indirect.gather [spmem:s2], $0x80, s28, s16, $0xb8;
	[tilespmem:$0x16C10] =	vst v63  }
0x6d: {  	s11 =	sadd.s32 $0x2000, s11;
	s12 =	sadd.s32 $0x2000, s12;
	s28 =	sadd.s32 $0xC90, s23  }
0x6e: {  	[tilespmem:s19], [sflag:$0x1] =	stream.indirect.gather [spmem:s2], $0x80, s28, s16, $0xb8;
	[tilespmem:$0x16C10] =	vst v63  }
.LBB2_5:
0x6f: {  	_ =	sfence.sel $0x180000  }
0x70: {  	[bflag:$0x0] =	sbarrier.arrive $0xFFFF  }
0x71: {  	_ =	strace $0x90000047  }
0x72: {  	[bflag:$0x2] =	sbarrier.arrive $0xFFFF  }
0x73: {  	s0 =	rddreg [dreg:$0x4]  }
0x74: {  	s0 =	sadd.s32 @!p0 $0x100000, s0  }
0x75: {  	[sflag:s0] =	ssyncadd.tile.s32 @!p0 $0x1;
	_ =	shalt  }
.Lfunc_end2:
_tile_overlayer_lowered:
.L_overlay_start_2:
0x76: {  	(tag) =	ssettag $0x2  }
0x77: {  	s0 =	rddreg [dreg:$0x0];
	s2 =	stileid.u32  }
0x78: {  	s1 =	rddreg [dreg:$0x1];
	p0 =	sne.s32 s2, $0x0  }
0x79: {  	s3 =	rddreg [dreg:$0x2];
	[bflag:$0x3] =	sbarrier.arrive $0xFFFF;
	s2 =	simm.s32 @!p0 $0x1C05  }
0x7a: {  	[timem:s3], [sflag:s2] =	dma.local @!p0 [hbm:s0], s1  }
0x7b: {  	s0 =	simm.s32 @!p0 $0x5  }
0x7c: {  	_ =	swait.ge @!p0 [sflag:s0], s1  }
0x7d: {  	s1 =	ssub.s32 @!p0 $0x0, s1;
	[sflag:s0] =	ssyncset.done @!p0 $0x0  }
0x7e: {  	[sflag:s0] =	ssyncadd.s32 @!p0 s1  }
0x7f: {  	[bflag:$0x3] =	sbarrier.arrive $0xFFFF  }
0x80: {  	_ =	shalt  }

</sc_bundles>
